<compile_context>
chip_gen: v7x
topology: tpu7x:2x2x1
jax: 0.10.2.dev20260603
libtpu: 0.0.44.dev20260713+nightly
codegen_flags: <defaults>
</compile_context>

<pallas_src>
import functools

import jax
import jax.numpy as jnp
from jax import lax
from jax.experimental import pallas as pl
from jax.experimental.pallas import tpu as pltpu
from jax.experimental.pallas import tpu_sc as plsc

BSZ = 4096
TGT = 200
DIM = 64
VOCAB = 100000

_NC = 2
_NS = 16
_NW = _NC * _NS
_DIMS_PER_W = DIM // _NW


def _index_body(nodes_ref, exe_ref, nid_ref, gate_ref):
    tpos = lax.broadcasted_iota(jnp.int32, (TGT, BSZ), 0)
    is_one = exe_ref[...] == 1
    best = jnp.max(jnp.where(is_one, tpos, -1), axis=0)
    has = best >= 0
    doc = jnp.maximum(best, 0)
    nid = jnp.sum(jnp.where(tpos == doc[None, :], nodes_ref[...], 0), axis=0)
    nid_ref[...] = nid[None, :]
    gate_ref[...] = has.astype(jnp.float32)[None, :]


def _stage_indices(nodes_t, exe_t):
    return pl.pallas_call(
        _index_body,
        out_shape=(
            jax.ShapeDtypeStruct((1, BSZ), jnp.int32),
            jax.ShapeDtypeStruct((1, BSZ), jnp.float32),
        ),
    )(nodes_t, exe_t)


def _gather_body(idx_hbm, flat_hbm, out_hbm, idx_v, idx_w, emb_v, sem):
    wid = lax.axis_index("s") * _NC + lax.axis_index("c")
    d0 = wid * _DIMS_PER_W
    pltpu.sync_copy(idx_hbm, idx_v)

    @plsc.parallel_loop(0, BSZ, step=16, unroll=8)
    def _(g):
        base = idx_v[pl.ds(g, 16)]
        for j in range(_DIMS_PER_W):
            idx_w[pl.ds(j * BSZ + g, 16)] = base + (d0 + j) * VOCAB

    pltpu.async_copy(flat_hbm.at[idx_w], emb_v, sem).wait()
    pltpu.sync_copy(emb_v, out_hbm.at[pl.ds(d0 * BSZ, _DIMS_PER_W * BSZ)])


def _stage_gather(node_ids, table_flat):
    mesh = plsc.VectorSubcoreMesh(
        core_axis_name="c", subcore_axis_name="s", num_cores=_NC, num_subcores=_NS
    )
    k = pl.kernel(
        _gather_body,
        out_type=jax.ShapeDtypeStruct((DIM * BSZ,), jnp.float32),
        mesh=mesh,
        scratch_types=[
            pltpu.VMEM((BSZ,), jnp.int32),
            pltpu.VMEM((_DIMS_PER_W * BSZ,), jnp.int32),
            pltpu.VMEM((_DIMS_PER_W * BSZ,), jnp.float32),
            pltpu.SemaphoreType.DMA,
        ],
    )
    return k(node_ids, table_flat).reshape(DIM, BSZ)


_TBLK = 8


def _sim_body(emb_ref, gate_ref, w_ref, b_ref, src_ref, out_ref, x_ref):
    @pl.when(pl.program_id(0) == 0)
    def _():
        new_x = emb_ref[...] * gate_ref[...]
        x = lax.dot_general(
            w_ref[...], new_x, (((1,), (0,)), ((), ())),
            preferred_element_type=jnp.float32,
        )
        x_ref[...] = x + b_ref[...]

    x = x_ref[...]
    y = x[None, :, :] * src_ref[...]
    out_ref[0] = jnp.sum(y, axis=1) * 0.125


def _stage_sim(emb_t, gate, src_t, W0, b0):
    grid = (TGT // _TBLK,)
    return pl.pallas_call(
        _sim_body,
        grid=grid,
        in_specs=[
            pl.BlockSpec((DIM, BSZ), lambda i: (0, 0)),
            pl.BlockSpec((1, BSZ), lambda i: (0, 0)),
            pl.BlockSpec((DIM, DIM), lambda i: (0, 0)),
            pl.BlockSpec((DIM, 1), lambda i: (0, 0)),
            pl.BlockSpec((_TBLK, DIM, BSZ), lambda i: (i, 0, 0)),
        ],
        out_specs=pl.BlockSpec((1, _TBLK, BSZ), lambda i: (i, 0, 0)),
        out_shape=jax.ShapeDtypeStruct((TGT // _TBLK, _TBLK, BSZ), jnp.float32),
        scratch_shapes=[pltpu.VMEM((DIM, BSZ), jnp.float32)],
    )(emb_t, gate, W0, b0.reshape(DIM, 1), src_t)


def kernel(batch_nodes, batch_nodes_exe, src, graph_dict, W0, b0):
    nodes_t = jnp.transpose(batch_nodes)
    exe_t = jnp.transpose(batch_nodes_exe)
    src_t = jnp.transpose(src, (0, 2, 1))
    table_flat = jnp.transpose(graph_dict).reshape(DIM * VOCAB)
    nid, gate = _stage_indices(nodes_t, exe_t)
    emb_t = _stage_gather(nid.reshape(BSZ), table_flat)
    sim_t = _stage_sim(emb_t, gate, src_t, W0, b0).reshape(TGT, BSZ)
    sim = jnp.transpose(sim_t)[:, None, :]
    return sim, gate.reshape(BSZ, 1)

# --- scband reference (transcript-rebuilt; emitter-appended) ---
"""Pipeline reference for scband-com-sim-model-3169685864864 (READ-ONLY COPY).

The authoritative reference and input builder live on the scoring server;
editing this copy changes nothing except your own understanding.
"""

import jax, jax.numpy as jnp
import numpy as np

VOCAB = 100000
BSZ = 4096
TGT = 200
DIM = 64


def setup_inputs(seed: int = 0) -> dict:
    key = jax.random.key(seed)
    k1, k2, k3, k4, k5 = jax.random.split(key, 5)
    batch_nodes = jax.random.randint(k1, (BSZ, TGT), 0, VOCAB)
    batch_nodes_exe = jax.random.randint(k2, (BSZ, TGT), 0, 2)
    src = jax.random.normal(k3, (TGT, BSZ, DIM), dtype=jnp.float32)
    # learned params: precomputed GNN node embeddings (graph_dict) and linear0
    graph_dict = jax.random.normal(k4, (VOCAB, DIM), dtype=jnp.float32) * 0.02
    W0 = jax.random.normal(k5, (DIM, DIM), dtype=jnp.float32) * (1.0 / np.sqrt(DIM))
    b0 = jnp.zeros((DIM,), dtype=jnp.float32)
    return {"batch_nodes": batch_nodes, "batch_nodes_exe": batch_nodes_exe, "src": src,
            "graph_dict": graph_dict, "W0": W0, "b0": b0}


def reference(batch_nodes, batch_nodes_exe, src, graph_dict, W0, b0):
    tgt_len, bsz, embed_dim = src.shape
    positions = jnp.arange(tgt_len)
    # per-row: does batch_nodes_exe[i] contain a 1?
    has_one = jnp.any(batch_nodes_exe == 1, axis=1)
    # doc_id = index of the LAST 1 in each row (matches reversed-list .index(1) logic)
    doc_id = jnp.max(jnp.where(batch_nodes_exe == 1, positions[None, :], -1), axis=1)
    doc_id = jnp.maximum(doc_id, 0)  # safe index when no 1 present (value masked out below)
    node_ids = jnp.take_along_axis(batch_nodes, doc_id[:, None], axis=1)[:, 0]
    # embedding lookup into the precomputed graph dictionary
    emb = jnp.take(graph_dict, node_ids, axis=0)  # [bsz, dim]
    new_x = jnp.where(has_one[:, None], emb, jnp.zeros_like(emb))[:, None, :]  # [bsz,1,dim]
    gate_x = has_one.astype(jnp.float32)[:, None]  # [bsz,1]
    # linear0
    x = jnp.matmul(new_x, W0.T) + b0  # [bsz,1,dim]
    # scaled similarity against src.permute(1,2,0)
    cosine_sim_matrix = jnp.matmul(x, jnp.transpose(src, (1, 2, 0))) / jnp.sqrt(
        jnp.asarray(embed_dim, dtype=jnp.float32))  # [bsz,1,tgt_len]
    return cosine_sim_matrix, gate_x

if __name__ == "__main__":
    import jax
    _d = setup_inputs()
    print(jax.jit(kernel)(*tuple(_d.values())))

</pallas_src>

<mosaic_0001>
#map = affine_map<(d0, d1) -> (0)>
module attributes {stable_mosaic.version = 14 : i64} {
  func.func @_gather_body(%arg0: i32, %arg1: i32, %arg2: memref<4096xi32, #tpu.memory_space<hbm>>, %arg3: memref<6400000xf32, #tpu.memory_space<hbm>>, %arg4: memref<262144xf32, #tpu.memory_space<hbm>>, %arg5: memref<4096xi32, #tpu.memory_space<vmem>>, %arg6: memref<8192xi32, #tpu.memory_space<vmem>>, %arg7: memref<8192xf32, #tpu.memory_space<vmem>>, %arg8: memref<!tpu.dma_semaphore, #tpu.memory_space<semaphore_mem>>) attributes {dimension_semantics = [#tpu.dimension_semantics<core_parallel>, #tpu.dimension_semantics<subcore_parallel>], iteration_bounds = array<i64: 2, 16>, scalar_prefetch = 0 : i64, scratch_operands = 4 : i64, tpu.core_type = #tpu.core_type<sc_vector_subcore>, window_params = [{transform_indices = #map}, {transform_indices = #map}, {transform_indices = #map}]} {
    %mul3A = arith.constant 2 : i32
    %mul3A_0 = arith.muli %arg1, %mul3A : i32
    %add3A = arith.addi %mul3A_0, %arg0 : i32
    %mul3A_1 = arith.constant 2 : i32
    %mul3A_2 = arith.muli %add3A, %mul3A_1 : i32
    "tpu.region"() ({
      %run_scoped3A = tpu.sem_alloc : memref<!tpu.dma_semaphore, #tpu.memory_space<semaphore_mem>>
      tpu.enqueue_dma source(%arg2 : memref<4096xi32, #tpu.memory_space<hbm>>) target(%arg5 : memref<4096xi32, #tpu.memory_space<vmem>>) target_semaphore(%run_scoped3A : memref<!tpu.dma_semaphore, #tpu.memory_space<semaphore_mem>>)
      tpu.wait_dma2 semaphore(%run_scoped3A : memref<!tpu.dma_semaphore, #tpu.memory_space<semaphore_mem>>) src(%arg2 : memref<4096xi32, #tpu.memory_space<hbm>>) dst(%arg5 : memref<4096xi32, #tpu.memory_space<vmem>>)
      tpu.yield
    }) : () -> ()
    %parallel_loop3A = arith.constant 0 : i32
    %parallel_loop3A_3 = arith.constant 4096 : i32
    %parallel_loop3A_4 = arith.constant 16 : i32
    scf.for %parallel_loop3A_9 = %parallel_loop3A to %parallel_loop3A_3 step %parallel_loop3A_4  : i32 {
      %parallel_loop3A_10 = arith.index_cast %parallel_loop3A_9 : i32 to index
      %parallel_loop3A_11 = tpu.vector_load %arg5[%parallel_loop3A_10] {strides = array<i32>} : memref<4096xi32, #tpu.memory_space<vmem>>, vector<16xi32>,
      %parallel_loop3A_12 = vector.shape_cast %parallel_loop3A_11 : vector<16xi32> to vector<16xi32>
      %parallel_loop3A_13 = arith.constant 0 : i32
      %parallel_loop3A_14 = arith.addi %mul3A_2, %parallel_loop3A_13 : i32
      %parallel_loop3A_15 = arith.constant 100000 : i32
      %parallel_loop3A_16 = arith.muli %parallel_loop3A_14, %parallel_loop3A_15 : i32
      %parallel_loop3A_17 = vector.broadcast %parallel_loop3A_16 : i32 to vector<16xi32>
      %parallel_loop3A_18 = arith.addi %parallel_loop3A_12, %parallel_loop3A_17 : vector<16xi32>
      %parallel_loop3A_19 = arith.constant 0 : i32
      %parallel_loop3A_20 = arith.addi %parallel_loop3A_19, %parallel_loop3A_9 : i32
      %parallel_loop3A_21 = arith.index_cast %parallel_loop3A_20 : i32 to index
      %parallel_loop3A_22 = tpu.vector_load %arg6[%parallel_loop3A_21] {strides = array<i32>} : memref<8192xi32, #tpu.memory_space<vmem>>, vector<16xi32>,
      %parallel_loop3A_23 = vector.shape_cast %parallel_loop3A_22 : vector<16xi32> to vector<16xi32>
      %parallel_loop3A_24 = vector.shape_cast %parallel_loop3A_18 : vector<16xi32> to vector<16xi32>
      tpu.vector_store %arg6[%parallel_loop3A_21], %parallel_loop3A_24 {strides = array<i32>} : memref<8192xi32, #tpu.memory_space<vmem>>, vector<16xi32>,
      %parallel_loop3A_25 = arith.constant 1 : i32
      %parallel_loop3A_26 = arith.addi %mul3A_2, %parallel_loop3A_25 : i32
      %parallel_loop3A_27 = arith.constant 100000 : i32
      %parallel_loop3A_28 = arith.muli %parallel_loop3A_26, %parallel_loop3A_27 : i32
      %parallel_loop3A_29 = vector.broadcast %parallel_loop3A_28 : i32 to vector<16xi32>
      %parallel_loop3A_30 = arith.addi %parallel_loop3A_12, %parallel_loop3A_29 : vector<16xi32>
      %parallel_loop3A_31 = arith.constant 4096 : i32
      %parallel_loop3A_32 = arith.addi %parallel_loop3A_31, %parallel_loop3A_9 : i32
      %parallel_loop3A_33 = arith.index_cast %parallel_loop3A_32 : i32 to index
      %parallel_loop3A_34 = tpu.vector_load %arg6[%parallel_loop3A_33] {strides = array<i32>} : memref<8192xi32, #tpu.memory_space<vmem>>, vector<16xi32>,
      %parallel_loop3A_35 = vector.shape_cast %parallel_loop3A_34 : vector<16xi32> to vector<16xi32>
      %parallel_loop3A_36 = vector.shape_cast %parallel_loop3A_30 : vector<16xi32> to vector<16xi32>
      tpu.vector_store %arg6[%parallel_loop3A_33], %parallel_loop3A_36 {strides = array<i32>} : memref<8192xi32, #tpu.memory_space<vmem>>, vector<16xi32>,
    } {sc.loop_unroll_factor = 8 : i64, sc.parallel_access}
    %dma_start3A = arith.constant 0 : i32
    %dma_start3A_5 = tpu.memref_slice %arg3[%dma_start3A] : memref<6400000xf32, #tpu.memory_space<hbm>> -> memref<6400000xf32, #tpu.memory_space<hbm>>
    tpu.enqueue_indirect_dma source(%dma_start3A_5 : memref<6400000xf32, #tpu.memory_space<hbm>>) target(%arg7 : memref<8192xf32, #tpu.memory_space<vmem>>) offsets(%arg6 : memref<8192xi32, #tpu.memory_space<vmem>>) semaphore(%arg8 : memref<!tpu.dma_semaphore, #tpu.memory_space<semaphore_mem>>)
    %dma_wait3A = arith.constant 0 : i32
    %dma_wait3A_6 = tpu.memref_slice %arg3[%dma_wait3A] : memref<6400000xf32, #tpu.memory_space<hbm>> -> memref<6400000xf32, #tpu.memory_space<hbm>>
    tpu.wait_indirect_dma semaphore(%arg8 : memref<!tpu.dma_semaphore, #tpu.memory_space<semaphore_mem>>) src(%dma_wait3A_6 : memref<6400000xf32, #tpu.memory_space<hbm>>) dst(%arg7 : memref<8192xf32, #tpu.memory_space<vmem>>)
    %mul3A_7 = arith.constant 4096 : i32
    %mul3A_8 = arith.muli %mul3A_2, %mul3A_7 : i32
    "tpu.region"() ({
      %run_scoped3A = tpu.sem_alloc : memref<!tpu.dma_semaphore, #tpu.memory_space<semaphore_mem>>
      %dma_start3A_9 = tpu.memref_slice %arg4[%mul3A_8] : memref<262144xf32, #tpu.memory_space<hbm>> -> memref<8192xf32, #tpu.memory_space<hbm>>
      %dma_start3A_10 = tpu.memref_slice %arg4[%mul3A_8] : memref<262144xf32, #tpu.memory_space<hbm>> -> memref<8192xf32, #tpu.memory_space<hbm>>
      tpu.enqueue_dma source(%arg7 : memref<8192xf32, #tpu.memory_space<vmem>>) target(%dma_start3A_10 : memref<8192xf32, #tpu.memory_space<hbm>>) target_semaphore(%run_scoped3A : memref<!tpu.dma_semaphore, #tpu.memory_space<semaphore_mem>>)
      %dma_wait3A_11 = tpu.memref_slice %arg4[%mul3A_8] : memref<262144xf32, #tpu.memory_space<hbm>> -> memref<8192xf32, #tpu.memory_space<hbm>>
      %dma_wait3A_12 = tpu.memref_slice %arg4[%mul3A_8] : memref<262144xf32, #tpu.memory_space<hbm>> -> memref<8192xf32, #tpu.memory_space<hbm>>
      tpu.wait_dma2 semaphore(%run_scoped3A : memref<!tpu.dma_semaphore, #tpu.memory_space<semaphore_mem>>) src(%arg7 : memref<8192xf32, #tpu.memory_space<vmem>>) dst(%dma_wait3A_12 : memref<8192xf32, #tpu.memory_space<hbm>>)
      tpu.yield
    }) : () -> ()
    return
  }
}

module attributes {stable_mosaic.version = 14 : i64} {
  func.func @_index_body(%arg0: memref<200x4096xi32, #tpu.memory_space<vmem>>, %arg1: memref<200x4096xi32, #tpu.memory_space<vmem>>, %arg2: memref<1x4096xi32, #tpu.memory_space<vmem>>, %arg3: memref<1x4096xf32, #tpu.memory_space<vmem>>) attributes {dimension_semantics = [], scalar_prefetch = 0 : i64, scratch_operands = 0 : i64, tpu.core_type = #tpu.core_type<tc>} {
    %iota3A = tpu.iota {dimensions = array<i32: 0>} : vector<200x4096xi32>
    %get3A = arith.constant 0 : index
    %get3A_0 = arith.constant 0 : index
    %get3A_1 = vector.load %arg1[%get3A, %get3A_0] : memref<200x4096xi32, #tpu.memory_space<vmem>>, vector<200x4096xi32>
    %eq3A = arith.constant 1 : i32
    %eq3A_2 = vector.broadcast %eq3A : i32 to vector<200x4096xi32>
    %eq3A_3 = arith.cmpi eq, %get3A_1, %eq3A_2 : vector<200x4096xi32>
    %jit3A = arith.constant -1 : i32
    %broadcast_in_dim3A = vector.broadcast %jit3A : i32 to vector<200x4096xi32>
    %select_n3A = arith.select %eq3A_3, %iota3A, %broadcast_in_dim3A : vector<200x4096xi1>, vector<200x4096xi32>
    %reduce_max3A = arith.constant dense<-2147483648> : vector<4096xi32>
    %reduce_max3A_4 = vector.multi_reduction <maxsi>, %select_n3A, %reduce_max3A [0] : vector<200x4096xi32> to vector<4096xi32>
    %ge3A = arith.constant 0 : i32
    %ge3A_5 = vector.broadcast %ge3A : i32 to vector<4096xi32>
    %ge3A_6 = arith.cmpi sge, %reduce_max3A_4, %ge3A_5 : vector<4096xi32>
    %max3A = arith.constant 0 : i32
    %max3A_7 = vector.broadcast %max3A : i32 to vector<4096xi32>
    %max3A_8 = arith.maxsi %reduce_max3A_4, %max3A_7 : vector<4096xi32>
    %broadcast_in_dim3A_9 = vector.shape_cast %max3A_8 : vector<4096xi32> to vector<1x4096xi32>
    %eq3A_10 = vector.broadcast %broadcast_in_dim3A_9 : vector<1x4096xi32> to vector<200x4096xi32>
    %eq3A_11 = arith.cmpi eq, %iota3A, %eq3A_10 : vector<200x4096xi32>
    %get3A_12 = arith.constant 0 : index
    %get3A_13 = arith.constant 0 : index
    %get3A_14 = vector.load %arg0[%get3A_12, %get3A_13] : memref<200x4096xi32, #tpu.memory_space<vmem>>, vector<200x4096xi32>
    %jit3A_15 = arith.constant 0 : i32
    %broadcast_in_dim3A_16 = vector.broadcast %jit3A_15 : i32 to vector<200x4096xi32>
    %select_n3A_17 = arith.select %eq3A_11, %get3A_14, %broadcast_in_dim3A_16 : vector<200x4096xi1>, vector<200x4096xi32>
    %reduce_sum3A = arith.constant dense<0> : vector<4096xi32>
    %reduce_sum3A_18 = vector.multi_reduction <add>, %select_n3A_17, %reduce_sum3A [0] : vector<200x4096xi32> to vector<4096xi32>
    %broadcast_in_dim3A_19 = vector.shape_cast %reduce_sum3A_18 : vector<4096xi32> to vector<1x4096xi32>
    %swap3A = arith.constant 0 : index
    %swap3A_20 = arith.constant 0 : index
    %swap3A_21 = vector.load %arg2[%swap3A, %swap3A_20] : memref<1x4096xi32, #tpu.memory_space<vmem>>, vector<1x4096xi32>
    tpu.vector_store %arg2[%swap3A, %swap3A_20], %broadcast_in_dim3A_19 {strides = array<i32>} : memref<1x4096xi32, #tpu.memory_space<vmem>>, vector<1x4096xi32>,
    %convert_element_type3A = arith.extui %ge3A_6 : vector<4096xi1> to vector<4096xi32>
    %convert_element_type3A_22 = arith.sitofp %convert_element_type3A : vector<4096xi32> to vector<4096xf32>
    %broadcast_in_dim3A_23 = vector.shape_cast %convert_element_type3A_22 : vector<4096xf32> to vector<1x4096xf32>
    %swap3A_24 = arith.constant 0 : index
    %swap3A_25 = arith.constant 0 : index
    %swap3A_26 = vector.load %arg3[%swap3A_24, %swap3A_25] : memref<1x4096xf32, #tpu.memory_space<vmem>>, vector<1x4096xf32>
    tpu.vector_store %arg3[%swap3A_24, %swap3A_25], %broadcast_in_dim3A_23 {strides = array<i32>} : memref<1x4096xf32, #tpu.memory_space<vmem>>, vector<1x4096xf32>,
    return
  }
}

module attributes {stable_mosaic.version = 14 : i64} {
  func.func @_sim_body(%arg0: i32, %arg1: memref<64x4096xf32, #tpu.memory_space<vmem>>, %arg2: memref<1x4096xf32, #tpu.memory_space<vmem>>, %arg3: memref<64x64xf32, #tpu.memory_space<vmem>>, %arg4: memref<64x1xf32, #tpu.memory_space<vmem>>, %arg5: memref<8x64x4096xf32, #tpu.memory_space<vmem>>, %arg6: memref<1x8x4096xf32, #tpu.memory_space<vmem>>, %arg7: memref<64x4096xf32, #tpu.memory_space<vmem>>) attributes {dimension_semantics = [#tpu.dimension_semantics<arbitrary>], iteration_bounds = array<i64: 25>, scalar_prefetch = 0 : i64, scratch_operands = 1 : i64, tpu.core_type = #tpu.core_type<tc>, window_params = [{pipeline_mode = #tpu.pipeline_mode<synchronous>, transform_indices = @transform_0, window_bounds = array<i64: 64, 4096>}, {pipeline_mode = #tpu.pipeline_mode<synchronous>, transform_indices = @transform_1, window_bounds = array<i64: 1, 4096>}, {pipeline_mode = #tpu.pipeline_mode<synchronous>, transform_indices = @transform_2, window_bounds = array<i64: 64, 64>}, {pipeline_mode = #tpu.pipeline_mode<synchronous>, transform_indices = @transform_3, window_bounds = array<i64: 64, 1>}, {transform_indices = @transform_4, window_bounds = array<i64: 8, 64, 4096>}, {transform_indices = @transform_5, window_bounds = array<i64: 1, 8, 4096>}]} {
    %eq3A = arith.constant 0 : i32
    %eq3A_0 = arith.cmpi eq, %arg0, %eq3A : i32
    %convert_element_type3A = arith.extui %eq3A_0 : i1 to i32
    %cond3A = arith.constant 0 : i32
    %cond3A_1 = arith.cmpi ne, %convert_element_type3A, %cond3A : i32
    scf.if %cond3A_1 {
      %get3A_18 = arith.constant 0 : index
      %get3A_19 = arith.constant 0 : index
      %get3A_20 = vector.load %arg1[%get3A_18, %get3A_19] : memref<64x4096xf32, #tpu.memory_space<vmem>>, vector<64x4096xf32>
      %get3A_21 = arith.constant 0 : index
      %get3A_22 = arith.constant 0 : index
      %get3A_23 = vector.load %arg2[%get3A_21, %get3A_22] : memref<1x4096xf32, #tpu.memory_space<vmem>>, vector<1x4096xf32>
      %mul3A_24 = vector.broadcast %get3A_23 : vector<1x4096xf32> to vector<64x4096xf32>
      %mul3A_25 = arith.mulf %get3A_20, %mul3A_24 : vector<64x4096xf32>
      %get3A_26 = arith.constant 0 : index
      %get3A_27 = arith.constant 0 : index
      %get3A_28 = vector.load %arg3[%get3A_26, %get3A_27] : memref<64x64xf32, #tpu.memory_space<vmem>>, vector<64x64xf32>
      %dot_general3A = arith.constant dense<0.000000e+00> : vector<64x4096xf32>
      %dot_general3A_29 = tpu.matmul %get3A_28, %mul3A_25, %dot_general3A {dimension_numbers = #tpu.dot_dimension_numbers<[1], [0], [0], [1], [0, 0, 1, 1], [], []>, transpose_lhs_hint = false} : vector<64x64xf32>, vector<64x4096xf32>, vector<64x4096xf32> -> vector<64x4096xf32>
      %get3A_30 = arith.constant 0 : index
      %get3A_31 = arith.constant 0 : index
      %get3A_32 = vector.load %arg4[%get3A_30, %get3A_31] : memref<64x1xf32, #tpu.memory_space<vmem>>, vector<64x1xf32>
      %add3A = vector.broadcast %get3A_32 : vector<64x1xf32> to vector<64x4096xf32>
      %add3A_33 = arith.addf %dot_general3A_29, %add3A : vector<64x4096xf32>
      %swap3A_34 = arith.constant 0 : index
      %swap3A_35 = arith.constant 0 : index
      %swap3A_36 = vector.load %arg7[%swap3A_34, %swap3A_35] : memref<64x4096xf32, #tpu.memory_space<vmem>>, vector<64x4096xf32>
      tpu.vector_store %arg7[%swap3A_34, %swap3A_35], %add3A_33 {strides = array<i32>} : memref<64x4096xf32, #tpu.memory_space<vmem>>, vector<64x4096xf32>,
    } else {
    }
    %get3A = arith.constant 0 : index
    %get3A_2 = arith.constant 0 : index
    %get3A_3 = vector.load %arg7[%get3A, %get3A_2] : memref<64x4096xf32, #tpu.memory_space<vmem>>, vector<64x4096xf32>
    %broadcast_in_dim3A = vector.shape_cast %get3A_3 : vector<64x4096xf32> to vector<1x64x4096xf32>
    %get3A_4 = arith.constant 0 : index
    %get3A_5 = arith.constant 0 : index
    %get3A_6 = arith.constant 0 : index
    %get3A_7 = vector.load %arg5[%get3A_4, %get3A_5, %get3A_6] : memref<8x64x4096xf32, #tpu.memory_space<vmem>>, vector<8x64x4096xf32>
    %mul3A = vector.broadcast %broadcast_in_dim3A : vector<1x64x4096xf32> to vector<8x64x4096xf32>
    %mul3A_8 = arith.mulf %mul3A, %get3A_7 : vector<8x64x4096xf32>
    %reduce_sum3A = arith.constant dense<0.000000e+00> : vector<8x4096xf32>
    %reduce_sum3A_9 = vector.multi_reduction <add>, %mul3A_8, %reduce_sum3A [1] : vector<8x64x4096xf32> to vector<8x4096xf32>
    %mul3A_10 = arith.constant 1.250000e-01 : f32
    %mul3A_11 = vector.broadcast %mul3A_10 : f32 to vector<8x4096xf32>
    %mul3A_12 = arith.mulf %reduce_sum3A_9, %mul3A_11 : vector<8x4096xf32>
    %swap3A = arith.constant 0 : index
    %swap3A_13 = arith.constant 0 : index
    %swap3A_14 = arith.constant 0 : index
    %swap3A_15 = vector.load %arg6[%swap3A, %swap3A_13, %swap3A_14] : memref<1x8x4096xf32, #tpu.memory_space<vmem>>, vector<1x8x4096xf32>
    %swap3A_16 = vector.shape_cast %swap3A_15 : vector<1x8x4096xf32> to vector<8x4096xf32>
    %swap3A_17 = vector.shape_cast %mul3A_12 : vector<8x4096xf32> to vector<1x8x4096xf32>
    tpu.vector_store %arg6[%swap3A, %swap3A_13, %swap3A_14], %swap3A_17 {strides = array<i32>} : memref<1x8x4096xf32, #tpu.memory_space<vmem>>, vector<1x8x4096xf32>,
    return
  }
  func.func @transform_0(%arg0: i32) -> (i32, i32) {
    %c0_i32 = arith.constant 0 : i32
    %c0_i32_0 = arith.constant 0 : i32
    %c0_i32_1 = arith.constant 0 : i32
    return %c0_i32, %c0_i32_0 : i32, i32
  }
  func.func @transform_1(%arg0: i32) -> (i32, i32) {
    %c0_i32 = arith.constant 0 : i32
    %c0_i32_0 = arith.constant 0 : i32
    %c0_i32_1 = arith.constant 0 : i32
    return %c0_i32, %c0_i32_0 : i32, i32
  }
  func.func @transform_2(%arg0: i32) -> (i32, i32) {
    %c0_i32 = arith.constant 0 : i32
    %c0_i32_0 = arith.constant 0 : i32
    %c0_i32_1 = arith.constant 0 : i32
    return %c0_i32, %c0_i32_0 : i32, i32
  }
  func.func @transform_3(%arg0: i32) -> (i32, i32) {
    %c0_i32 = arith.constant 0 : i32
    %c0_i32_0 = arith.constant 0 : i32
    %c0_i32_1 = arith.constant 0 : i32
    return %c0_i32, %c0_i32_0 : i32, i32
  }
  func.func @transform_4(%arg0: i32) -> (i32, i32, i32) {
    %c0_i32 = arith.constant 0 : i32
    %c0_i32_0 = arith.constant 0 : i32
    %c0_i32_1 = arith.constant 0 : i32
    return %arg0, %c0_i32, %c0_i32_0 : i32, i32, i32
  }
  func.func @transform_5(%arg0: i32) -> (i32, i32, i32) {
    %c0_i32 = arith.constant 0 : i32
    %c0_i32_0 = arith.constant 0 : i32
    %c0_i32_1 = arith.constant 0 : i32
    return %arg0, %c0_i32, %c0_i32_0 : i32, i32, i32
  }
}

</mosaic_0001>

<sc_bundles>
// kernel: kernel.5.cloned.1.call-start
scs
__scs_entry_jumppad:
0x0: {  	(pc) =	sbr.rel $0x88, $3  }
0x1: {  	(tag) =	ssettag $0x0;
	lr =	simm.s32 $0x1  }
0x2: {  	[smem:$0x3F9B] =	sst lr;
	_ =	strace $0xD0000000  }
0x3: {  	_ = 	snop  }
0x4: {  	_ = 	snop  }
0x5: {  	_ = 	snop  }
0x6: {  	_ = 	snop  }
0x7: {  	_ = 	snop  }
__scs_overlays_trampoline_lowered:
0x8: {  	[smem:$0x3FAA] =	sst s0  }
0x9: {  	[smem:$0x3FAB] =	sst s1  }
0xa: {  	[smem:$0x3FAC] =	sst s2  }
0xb: {  	[smem:$0x3FAD] =	sst s3  }
0xc: {  	[smem:$0x3FAE] =	sst s4  }
0xd: {  	[smem:$0x3FAF] =	sst s5  }
0xe: {  	[smem:$0x3FB0] =	sst s6  }
0xf: {  	[smem:$0x3FB1] =	sst s7  }
0x10: {  	[smem:$0x3FB2] =	sst s8  }
0x11: {  	[smem:$0x3FB3] =	sst s9;
	s0 =	simm.s32 @!p0 $0x0  }
0x12: {  	s1 =	sld [smem:$0x3F99];
	s0 =	simm.s32 @p0 $0x1  }
0x13: {  	[smem:$0x3FB4] =	sst s0;
	s0 =	simm.s32 @!p1 $0x0  }
0x14: {  	s2 =	sld [smem:$0x3F98];
	s0 =	simm.s32 @p1 $0x1  }
0x15: {  	[smem:$0x3FB5] =	sst s0;
	s0 =	simm.s32 @!p2 $0x0  }
0x16: {  	s3 =	sld [smem:$0x3FDB];
	s0 =	simm.s32 @p2 $0x1  }
0x17: {  	s4 =	simm.s32 $0x1BF5;
	[smem:$0x3FB7] =	sst s0  }
0x18: {  	s0 =	sld [smem:$0x3F9A];
	_ =	swait.ge [sflag:s4], $0x0  }
0x19: {  	s7 =	sld [smem:$0x3F9B]  }
0x1a: {  	s8 =	sadd.s32 $0xFFFFE003, lr  }
0x1b: {  	s9 =	sadd.s32 $0xFFFFFEF7, lr;
	s5 =	simm.s32 $0xFFFFFFFF;
	p2 =	slt.u32 s8, $0xFFFFF086  }
0x1c: {  	p1 =	slt.u32 s9, $0xF7A;
	s5 =	simm.s32 @!p2 $0x0  }
0x1d: {  	s5 =	simm.s32 @p1 $0x1;
	p0 =	seq.s32 s7, s2  }
0x1e: {  	s7 =	smul.u32 @!p0 $0xF7A, s2;
	p2 =	seq.s32 @!p0 s5, $0x0  }
0x1f: {  	s9 =	smul.u32 $0xF7A, s1;
	s8 =	simm.s32 @!p0 $0x1BF5;
	p2 =	por !p2, p0  }
0x20: {  	[sflag:s8] =	ssyncset.s32 @!p0 $0xFFFFF086;
	s6 =	sadd.s32 @!p0 s3, s7;
	s7 =	simm.s32 @!p0 $0x108  }
0x21: {  	s3 =	sadd.s32 s3, s9;
	s6 =	sadd.s32 @!p0 $0x88, s6;
	s7 =	simm.s32 @p2 $0x1082  }
0x22: {  	[simem:s7], [sflag:s8] =	dma.local @!p0 [hbm:s6], $0xF7A  }
0x23: {  	s9 =	sor.u32 $0xD0000000, s2;
	s6 =	simm.s32 $0x108;
	_ =	swait.ge @!p0 [sflag:s8], $0x0  }
0x24: {  	s3 =	sadd.s32 $0x88, s3;
	s6 =	simm.s32 @!p1 $0x1082;
	[sflag:s4] =	ssyncset.s32 $0xFFFFF086  }
0x25: {  	[simem:s6], [sflag:s4] =	dma.local [hbm:s3], $0xF7A  }
0x26: {  	[smem:$0x3F9B] =	sst s1;
	(tag) =	ssettag s2;
	_ =	strace s9  }
0x27: {  	s1 =	sld [smem:$0x3FAB]  }
0x28: {  	s2 =	sld [smem:$0x3FAC]  }
0x29: {  	s4 =	sld [smem:$0x3FAE]  }
0x2a: {  	p0 =	seq.s32 s5, $0x0;
	s5 =	sld [smem:$0x3FAF]  }
0x2b: {  	s6 =	sld [smem:$0x3FB0]  }
0x2c: {  	s7 =	sld [smem:$0x3FB1]  }
0x2d: {  	s3 =	simm.s32 $0x108;
	s8 =	sld [smem:$0x3FB2]  }
0x2e: {  	s3 =	simm.s32 @!p0 $0x1082;
	s9 =	sld [smem:$0x3FB3]  }
0x2f: {  	lr =	sadd.s32 s0, s3;
	s0 =	sld [smem:$0x3FAA]  }
0x30: {  	s3 =	sld [smem:$0x3FAD]  }
0x31: {  	[smem:$0x3FB6] =	sst s10  }
0x32: {  	s10 =	sld [smem:$0x3FB4];
	_ =	sdelay $0x3  }
0x33: {  	p0 =	seq.s32 s10, $0x1;
	s10 =	sld [smem:$0x3FB6];
	_ =	sdelay $0x3  }
0x34: {  	[smem:$0x3FB6] =	sst s10  }
0x35: {  	s10 =	sld [smem:$0x3FB5];
	_ =	sdelay $0x3  }
0x36: {  	p1 =	seq.s32 s10, $0x1;
	s10 =	sld [smem:$0x3FB6];
	_ =	sdelay $0x3  }
0x37: {  	[smem:$0x3FB6] =	sst s10  }
0x38: {  	s10 =	sld [smem:$0x3FB7]  }
0x39: {  	_ = 	snop;
	(pc) =	sbr.ind lr, $3  }
0x3a: {  	_ = 	snop  }
0x3b: {  	_ = 	snop  }
0x3c: {  	p2 =	seq.s32 s10, $0x1;
	s10 =	sld [smem:$0x3FB6]  }
0x3d: {  	_ =	shalt  }
0x3e: {  	_ =	shalt  }
0x3f: {  	_ =	shalt  }
0x40: {  	_ =	shalt  }
0x41: {  	_ =	shalt  }
0x42: {  	_ =	shalt  }
0x43: {  	_ =	shalt  }
0x44: {  	_ =	shalt  }
0x45: {  	_ =	shalt  }
0x46: {  	_ =	shalt  }
0x47: {  	_ =	shalt  }
0x48: {  	_ =	shalt  }
0x49: {  	_ =	shalt  }
0x4a: {  	_ =	shalt  }
0x4b: {  	_ =	shalt  }
0x4c: {  	_ =	shalt  }
0x4d: {  	_ =	shalt  }
0x4e: {  	_ =	shalt  }
0x4f: {  	_ =	shalt  }
0x50: {  	_ =	shalt  }
0x51: {  	_ =	shalt  }
0x52: {  	_ =	shalt  }
0x53: {  	_ =	shalt  }
0x54: {  	_ =	shalt  }
0x55: {  	_ =	shalt  }
0x56: {  	_ =	shalt  }
0x57: {  	_ =	shalt  }
0x58: {  	_ =	shalt  }
0x59: {  	_ =	shalt  }
0x5a: {  	_ =	shalt  }
0x5b: {  	_ =	shalt  }
0x5c: {  	_ =	shalt  }
0x5d: {  	_ =	shalt  }
0x5e: {  	_ =	shalt  }
0x5f: {  	_ =	shalt  }
0x60: {  	_ =	shalt  }
0x61: {  	_ =	shalt  }
0x62: {  	_ =	shalt  }
0x63: {  	_ =	shalt  }
0x64: {  	_ =	shalt  }
0x65: {  	_ =	shalt  }
0x66: {  	_ =	shalt  }
0x67: {  	_ =	shalt  }
0x68: {  	_ =	shalt  }
0x69: {  	_ =	shalt  }
0x6a: {  	_ =	shalt  }
0x6b: {  	_ =	shalt  }
0x6c: {  	_ =	shalt  }
0x6d: {  	_ =	shalt  }
0x6e: {  	_ =	shalt  }
0x6f: {  	_ =	shalt  }
0x70: {  	_ =	shalt  }
0x71: {  	_ =	shalt  }
0x72: {  	_ =	shalt  }
0x73: {  	_ =	shalt  }
0x74: {  	_ =	shalt  }
0x75: {  	_ =	shalt  }
0x76: {  	_ =	shalt  }
0x77: {  	_ =	shalt  }
0x78: {  	_ =	shalt  }
0x79: {  	_ =	shalt  }
0x7a: {  	_ =	shalt  }
0x7b: {  	_ =	shalt  }
0x7c: {  	_ =	shalt  }
0x7d: {  	_ =	shalt  }
0x7e: {  	_ =	shalt  }
0x7f: {  	_ =	shalt  }
0x80: {  	_ =	shalt  }
0x81: {  	_ =	shalt  }
0x82: {  	_ =	shalt  }
0x83: {  	_ =	shalt  }
0x84: {  	_ =	shalt  }
0x85: {  	_ =	shalt  }
0x86: {  	_ =	shalt  }
0x87: {  	_ =	shalt  }
.Lfunc_end0:
.L_simem_size_0:
called_computation_lowered:
.L_overlay_start_0:
0x88: {  	s2 =	sld [smem:$0x3FD9]  }
0x89: {  	s3 =	sld [smem:$0x3FFE];
	_ =	sdelay $0x1  }
0x8a: {  	s1 =	srdreg.scid  }
0x8b: {  	s0 =	sand.u32 $0x1, s1  }
0x8c: {  	s14 =	sshll.u32 s0, $0xA;
	s2 =	sadd.s32 s3, s2  }
0x8d: {  	s2 =	sadd.s32 s2, s14  }
0x8e: {  	[smem:$0x3FC2] =	sst s2  }
0x8f: {  	_ = 	snop  }
0x90: {  	s2 =	sld [smem:$0x3FD0];
	_ =	sdelay $0x2  }
0x91: {  	s15 =	simm.s32 $0xA;
	s4 =	simm.s32 $0x10  }
0x92: {  	[smem:s4], [sflag:s15] =	dma.local [hbm:s2], $0x1  }
0x93: {  	_ =	swait.eq [sflag:s15], $0x1  }
0x94: {  	[sflag:s15] =	ssyncset.done $0x0  }
0x95: {  	[sflag:s15] =	ssyncadd.s32 $0xFFFFFFFF  }
0x96: {  	s16 =	sld [smem:$0x10];
	(tm) =	ssettm $0x1  }
0x97: {  	s17 =	sld [smem:$0x3FFB];
	_ =	sdelay $0x3  }
0x98: {  	_ =	strace s17  }
0x99: {  	s3 =	sld [smem:$0x3FFC];
	_ =	sdelay $0x3  }
0x9a: {  	_ =	strace s3  }
0x9b: {  	s3 =	sld [smem:$0x3FFD];
	_ =	sdelay $0x3  }
0x9c: {  	_ =	strace s3  }
0x9d: {  	_ =	strace $0x8FFFFFFF  }
0x9e: {  	s18 =	sld [smem:$0x3FDB];
	_ =	sdelay $0x1  }
0x9f: {  	s19 =	simm.s32 $_scs_section_size  }
0xa0: {  	s5 =	simm.s32 $_size__tile_overlayer_lowered;
	s6 =	simm.s32 $_tile_overlayer_lowered  }
0xa1: {  	s22 =	simm.s32 $0x1BFF;
	s21 =	sshll.u32 s6, $0x1;
	s3 =	sadd.s32 s19, s18  }
0xa2: {  	s7 =	simm.s32 $0x0;
	s20 =	sshll.u32 s5, $0x1;
	s5 =	sadd.s32 s21, s3  }
0xa3: {  	[timem:s7], [sflag:s22] =	dma.local [hbm:s5], s20  }
0xa4: {  	_ =	swait.ge [sflag:s22], s20  }
0xa5: {  	s4 =	ssub.s32 $0x0, s20;
	[sflag:s22] =	ssyncset.done $0x0  }
0xa6: {  	[sflag:s22] =	ssyncadd.s32 s4;
	_ =	sdelay $0x1  }
0xa7: {  	s23 =	simm.s32 $0x1B8B  }
0xa8: {  	_ =	swait.ge [sflag:s23], $0x1  }
0xa9: {  	[sflag:s23] =	ssyncset.done $0x0  }
0xaa: {  	s25 =	simm.s32 $0x1B8E;
	s24 =	sld [smem:$0x3FFE];
	[sflag:s23] =	ssyncadd.s32 $0xFFFFFFFF  }
0xab: {  	s26 =	simm.s32 $execute0_lowered;
	[smem:$0x3FD2] =	sst s25  }
0xac: {  	s5 =	sshll.u32 s26, $0x1;
	_ =	strace $0x80000046;
	[dreg:$0x1] =	wrdreg $0xFFFFFFFF  }
0xad: {  	s28 =	simm.s32 $_size_execute0_lowered;
	s3 =	sadd.s32 s3, s5;
	[dreg:$0x0] =	wrdreg $0x0  }
0xae: {  	s5 =	sshll.u32 s28, $0x1;
	[dreg:$0x2] =	wrdreg s3  }
0xaf: {  	[dreg:$0x3] =	wrdreg s5  }
0xb0: {  	[dreg:$0x4] =	wrdreg $0xC0  }
0xb1: {  	_ =	task [dreg:s7], $0x5FFFF  }
0xb2: {  	[dreg:$0x1] =	wrdreg $0xFFFFFFFF  }
0xb3: {  	[dreg:$0x0] =	wrdreg $0x60  }
0xb4: {  	[dreg:$0x2] =	wrdreg s24  }
0xb5: {  	[dreg:$0x3] =	wrdreg s16  }
0xb6: {  	[dreg:$0x4] =	wrdreg $0x9  }
0xb7: {  	_ =	task.clear_ibuf [dreg:s7], $0x5FFFF;
	_ =	strace $0x90000046  }
0xb8: {  	s29 =	simm.s32 $0x9;
	_ =	strace $0x80000048  }
0xb9: {  	_ =	swait.ge [sflag:s29], $0x1  }
0xba: {  	[sflag:s29] =	ssyncadd.s32 $0xFFFFFFFF  }
0xbb: {  	_ =	strace $0x90000048  }
0xbc: {  	_ =	sfence  }
0xbd: {  	s30 =	sld [smem:$0x0];
	_ =	sdelay $0x2  }
0xbe: {  	s31 =	sshll.u32 s1, $0xD;
	s1 =	sshrl.u32 s1, $0x2  }
0xbf: {  	s3 =	sand.u32 $0x4000, s31;
	s1 =	sadd.s32 s1, s30  }
0xc0: {  	s0 =	sor.u32 s3, s0;
	s1 =	sshll.u32 s1, $0x11  }
0xc1: {  	s0 =	sor.u32 s1, s0  }
0xc2: {  	s0 =	sadd.s32 $0x8F2B, s0  }
0xc3: {  	[sflag:s0] =	ssyncadd.remote.s32 $0x1  }
0xc4: {  	_ =	sfence.sel $0xFFFF  }
0xc5: {  	[dreg:$0x0] =	wrdreg $0xFFFFFFFF;
	(pc) =	sbr.abs _section_cstart, $3  }
0xc6: {  	[dreg:$0x1] =	wrdreg $0xFFFFFFFF  }
0xc7: {  	_ =	task.clear_ibuf [dreg:s7], $0x2FFFF;
	_ =	strace $0x9FFFFFFF  }
0xc8: {  	(tm) =	ssettm $0x7FFFFFFF  }
0xc9: {  	_ =	shalt  }
tec
execute0_lowered:
.L_overlay_start_1:
0x0: {  	(tag) =	ssettag $0x1  }
0x1: {  	s4 =	rddreg [dreg:$0x0]  }
0x2: {  	s5 =	rddreg [dreg:$0x1]  }
0x3: {  	s0 =	rddreg [dreg:$0x2]  }
0x4: {  	s2 =	simm.s32 $0x0;
	s3 =	srdreg.scid;
	s1 =	stileid.u32  }
0x5: {  	s9 =	simm.s32 $0x1000;
	s12 =	simm.s32 $0x0;
	[smem:$0x7FF] =	sst s2  }
0x6: {  	s3 =	sand.u32 $0x1, s3;
	s6 =	sshll.u32 s1, $0x1;
	_ =	strace $0x80000047  }
0x7: {  	s7 =	ssub.s32 $0x2, s3;
	s6 =	sor.u32 s3, s6;
	s3 =	sadd.s32 $0xC4800, s4  }
0x8: {  	s8 =	sshrl.u32 s7, $0x1;
	s10 =	smul.u32 $0x30D40, s6;
	s6 =	sshll.u32 s6, $0xA  }
0x9: {  	s4 =	sadd.s32 $0x1200, s4;
	s7 =	ssub.s32 s7, s8;
	s5 =	sadd.s32 s5, s6  }
0xa: {  	s8 =	simm.s32 $0x2000;
	s11 =	sadd.s32 $0x186A0, s10;
	s6 =	smax.u32 s7, $0x1  }
0xb: {  	s7 =	simm.s32 $0x2;
	v0 =	vmov s10;
	s10 =	simm.s32 $0x3000;
	v1 =	vmov s11;
	s11 =	simm.s32 $0x1  }
.LBB2_1:
0xc: {  	[tilespmem:s2], [sflag:$0x2] =	stream.linear.gather [hbm4b:s3+s2], $0x1000, $0x38;
	[tilespmem:$0x5000] =	vst v63  }
0xd: {  	_ =	swait.ge [sflag:s7], $0x1000  }
0xe: {  	[sflag:s7] =	ssyncset.done $0x0  }
0xf: {  	s13 =	simm.s32 $0x40;
	[sflag:s7] =	ssyncadd.s32 $0xFFFFF000  }
0x10: {  	v2 =	vld [tilespmem:s13+$0x30]  }
0x11: {  	v3 =	vld [tilespmem:s13+$0xFFFFFFD0];
	_ =	sdelay $0x1  }
0x12: {  	v4 =	vld [tilespmem:s13+$0xFFFFFFE0];
	_ =	sdelay $0x1  }
0x13: {  	v5 =	vld [tilespmem:s13+$0xFFFFFFF0];
	v6 =	vadd.s32 v1, v2  }
0x14: {  	v7 =	vadd.s32 v0, v3;
	[tilespmem:s8+$0x70] =	vst v6  }
0x15: {  	v3 =	vadd.s32 v1, v3;
	v6 =	vld [tilespmem:s13+$0xFFFFFFC0];
	[tilespmem:s8+$0xFFFFF010] =	vst v7  }
0x16: {  	v8 =	vadd.s32 v0, v4;
	v7 =	vld [tilespmem:s13+$0x0];
	[tilespmem:s8+$0x10] =	vst v3  }
0x17: {  	v4 =	vadd.s32 v1, v4;
	v3 =	vld [tilespmem:s13+$0x10];
	[tilespmem:s8+$0xFFFFF020] =	vst v8  }
0x18: {  	v9 =	vadd.s32 v0, v5;
	v8 =	vld [tilespmem:s13+$0x20];
	[tilespmem:s8+$0x20] =	vst v4  }
0x19: {  	v4 =	vadd.s32 v1, v5;
	[tilespmem:s8+$0xFFFFF030] =	vst v9  }
0x1a: {  	[tilespmem:s8+$0x30] =	vst v4;
	v5 =	vadd.s32 v0, v6  }
0x1b: {  	v2 =	vadd.s32 v0, v2;
	v6 =	vadd.s32 v1, v6;
	[tilespmem:s8+$0xFFFFF000] =	vst v5  }
0x1c: {  	v63 =	vadd.s32 v0, v7;
	v7 =	vadd.s32 v1, v7;
	v4 =	vadd.s32 v0, v3;
	[tilespmem:s8+$0x0] =	vst v6  }
0x1d: {  	s14 =	simm.s32 $0x0;
	s15 =	simm.s32 $0xC0;
	s13 =	simm.s32 $0x2000;
	v5 =	vadd.s32 v1, v3;
	v6 =	vadd.s32 v0, v8;
	v3 =	vadd.s32 v1, v8;
	[tilespmem:s8+$0xFFFFF040] =	vst v63  }
.LBB2_2:
0x1e: {  	v8 =	vld [tilespmem:s15+$0x30];
	s14 =	sadd.s32 $0x80, s14;
	[tilespmem:s13+$0x40] =	vst v7  }
0x1f: {  	v7 =	vld [tilespmem:s15+$0xFFFFFFD0];
	p0 =	slt.u32 s14, $0xF80;
	[tilespmem:s13+$0xFFFFF050] =	vst v4  }
0x20: {  	v4 =	vld [tilespmem:s15+$0xFFFFFFE0];
	[tilespmem:s13+$0x50] =	vst v5  }
0x21: {  	v5 =	vld [tilespmem:s15+$0xFFFFFFF0];
	[tilespmem:s13+$0xFFFFF060] =	vst v6  }
0x22: {  	v6 =	vld [tilespmem:s15+$0x0];
	[tilespmem:s13+$0x60] =	vst v3  }
0x23: {  	v3 =	vld [tilespmem:s15+$0x10];
	v9 =	vadd.s32 v1, v8;
	[tilespmem:s13+$0xFFFFF070] =	vst v2;
	v2 =	vadd.s32 v0, v8;
	s13 =	sadd.s32 $0x80, s13  }
0x24: {  	v8 =	vadd.s32 v0, v7;
	v7 =	vadd.s32 v1, v7;
	v10 =	vld [tilespmem:s15+$0x20];
	[tilespmem:s13+$0x70] =	vst v9  }
0x25: {  	v9 =	vld [tilespmem:s15+$0xFFFFFFC0];
	[tilespmem:s13+$0xFFFFF010] =	vst v8;
	v8 =	vadd.s32 v0, v4;
	v4 =	vadd.s32 v1, v4  }
0x26: {  	[tilespmem:s13+$0x10] =	vst v7;
	v11 =	vadd.s32 v0, v5;
	v12 =	vadd.s32 v1, v5  }
0x27: {  	[tilespmem:s13+$0xFFFFF020] =	vst v8;
	v8 =	vadd.s32 v0, v6;
	v7 =	vadd.s32 v1, v6  }
0x28: {  	[tilespmem:s13+$0x20] =	vst v4;
	v4 =	vadd.s32 v0, v3;
	v5 =	vadd.s32 v1, v3  }
.Ltmp0:
0x29: {  	[tilespmem:s13+$0xFFFFF030] =	vst v11;
	v6 =	vadd.s32 v0, v10;
	v3 =	vadd.s32 v1, v10;
	(pc) =	sbr.rel @p0 .LBB2_2-.Ltmp0, $4  }
0x2a: {  	v10 =	vadd.s32 v0, v9;
	v9 =	vadd.s32 v1, v9;
	[tilespmem:s13+$0x30] =	vst v12  }
0x2b: {  	[tilespmem:s13+$0xFFFFF000] =	vst v10  }
0x2c: {  	[tilespmem:s13+$0x0] =	vst v9  }
0x2d: {  	s15 =	sadd.s32 $0x80, s15;
	[tilespmem:s13+$0xFFFFF040] =	vst v8  }
0x2e: {  	[tilespmem:s13+$0x40] =	vst v7  }
0x2f: {  	[tilespmem:s13+$0xFFFFF050] =	vst v4  }
0x30: {  	[tilespmem:s13+$0x50] =	vst v5  }
0x31: {  	[tilespmem:s13+$0xFFFFF060] =	vst v6  }
0x32: {  	[tilespmem:s13+$0x60] =	vst v3  }
0x33: {  	[tilespmem:s13+$0xFFFFF070] =	vst v2  }
0x34: {  	[tilespmem:s10], [sflag:$0x1] =	stream.indirect.gather [hbm4b:s4+s8], $0x1, s9, s8, $0xb8;
	[tilespmem:$0x5000] =	vst v63  }
0x35: {  	s12 =	sadd.s32 $0x1, s12;
	_ =	swait.ge [sflag:s11], $0x2000  }
0x36: {  	p0 =	sne.s32 s12, s6;
	[sflag:s11] =	ssyncset.done $0x0  }
.Ltmp1:
0x37: {  	[sflag:s11] =	ssyncadd.s32 $0xFFFFE000;
	(pc) =	sbr.rel @p0 .LBB2_1-.Ltmp1, $4  }
0x38: {  	[hbm4b:s5+s2] =	stream.linear.scatter [tilespmem:s10], [sflag:$0x2], $0x2000, $0x38;
	[tilespmem:$0x5000] =	vst v63  }
0x39: {  	_ =	swait.ge [sflag:s7], $0x2000  }
0x3a: {  	[sflag:s7] =	ssyncset.done $0x0  }
0x3b: {  	[sflag:s7] =	ssyncadd.s32 $0xFFFFE000  }
0x3c: {  	_ =	sfence.sel $0x180000  }
0x3d: {  	[bflag:$0x0] =	sbarrier.arrive $0xFFFF  }
0x3e: {  	p0 =	sne.s32 s1, $0x0;
	_ =	strace $0x90000047  }
0x3f: {  	s0 =	sadd.s32 @!p0 $0x100000, s0;
	[bflag:$0x2] =	sbarrier.arrive $0xFFFF  }
0x40: {  	[sflag:s0] =	ssyncadd.tile.s32 @!p0 $0x1;
	_ =	shalt  }
.Lfunc_end2:
_tile_overlayer_lowered:
.L_overlay_start_2:
0x41: {  	(tag) =	ssettag $0x2  }
0x42: {  	s0 =	rddreg [dreg:$0x0];
	s2 =	stileid.u32  }
0x43: {  	s1 =	rddreg [dreg:$0x1];
	p0 =	sne.s32 s2, $0x0  }
0x44: {  	s3 =	rddreg [dreg:$0x2];
	[bflag:$0x3] =	sbarrier.arrive $0xFFFF;
	s2 =	simm.s32 @!p0 $0x1C02  }
0x45: {  	[timem:s3], [sflag:s2] =	dma.local @!p0 [hbm:s0], s1  }
0x46: {  	s0 =	simm.s32 @!p0 $0x2  }
0x47: {  	_ =	swait.ge @!p0 [sflag:s0], s1  }
0x48: {  	s1 =	ssub.s32 @!p0 $0x0, s1;
	[sflag:s0] =	ssyncset.done @!p0 $0x0  }
0x49: {  	[sflag:s0] =	ssyncadd.s32 @!p0 s1  }
0x4a: {  	[bflag:$0x3] =	sbarrier.arrive $0xFFFF  }
0x4b: {  	_ =	shalt  }

</sc_bundles>
